<compile_context>
chip_gen: v7x
topology: tpu7x:2x2x1
jax: 0.10.2.dev20260603
libtpu: 0.0.44.dev20260713+nightly
codegen_flags: <defaults>
</compile_context>

<pallas_src>
import functools
import jax
import jax.numpy as jnp
from jax.experimental import pallas as pl

N_BLOCK = 1000


def _embed_kernel(batch_ref, attrs_ref, feats_ref, fieldx_ref, ew_ref, out_ref):
    B = batch_ref.shape[1]
    G = fieldx_ref.shape[0]
    attrs = attrs_ref[0]
    mx = jnp.max(attrs, axis=1, keepdims=True)
    col_ids = jax.lax.broadcasted_iota(jnp.int32, attrs.shape, 1)
    idx = jnp.min(jnp.where(attrs == mx, col_ids, 127), axis=1, keepdims=True)
    s = jnp.zeros((B, 1), jnp.float32)
    for e in range(attrs.shape[1]):
        s = jnp.where(idx == e, ew_ref[0, e], s)
    b = batch_ref[0]
    g_ids = jax.lax.broadcasted_iota(jnp.int32, (B, G), 1)
    oh = jnp.where(g_ids == b, 1.0, 0.0).astype(jnp.bfloat16)
    mult = jax.lax.dot_general(
        oh, fieldx_ref[...], (((1,), (0,)), ((), ())),
        preferred_element_type=jnp.float32)
    out_ref[...] = feats_ref[...] + s * mult


@jax.jit
def kernel(batch, node_feats_1, node_attrs, data_external_field,
           element_weights, channel_weights):
    N, C, K = node_feats_1.shape
    G = data_external_field.shape[0]
    E = node_attrs.shape[1]
    feats = node_feats_1.reshape(N, C * K)
    nb = N // N_BLOCK
    batch_r = batch.astype(jnp.int32).reshape(nb, N_BLOCK, 1)
    attrs_r = node_attrs.reshape(nb, N_BLOCK, E)
    fieldx = (channel_weights[None, :, None]
              * data_external_field[:, None, :]).reshape(G, C * K)
    fieldx_bf16 = fieldx.astype(jnp.bfloat16)
    ew_pad = jnp.zeros((1, 128), jnp.float32).at[0, :E].set(element_weights)

    out = pl.pallas_call(
        _embed_kernel,
        grid=(nb,),
        in_specs=[
            pl.BlockSpec((1, N_BLOCK, 1), lambda i: (i, 0, 0)),
            pl.BlockSpec((1, N_BLOCK, E), lambda i: (i, 0, 0)),
            pl.BlockSpec((N_BLOCK, C * K), lambda i: (i, 0)),
            pl.BlockSpec((G, C * K), lambda i: (0, 0)),
            pl.BlockSpec((1, 128), lambda i: (0, 0)),
        ],
        out_specs=pl.BlockSpec((N_BLOCK, C * K), lambda i: (i, 0)),
        out_shape=jax.ShapeDtypeStruct((N, C * K), jnp.float32),
    )(batch_r, attrs_r, feats, fieldx_bf16, ew_pad)
    return out.reshape(N, C, K)

# --- scband reference (transcript-rebuilt; emitter-appended) ---
"""Pipeline reference for scband-equivariant-embedding-35777077576000 (READ-ONLY COPY).

The authoritative reference and input builder live on the scoring server;
editing this copy changes nothing except your own understanding.
"""

import jax, jax.numpy as jnp
import numpy as np

N_NODES = 100000
N_GRAPHS = 64
NUM_ELEMENTS = 5
NUM_CHANNEL = 128
RANK = 1


def setup_inputs(seed: int = 0) -> dict:
    key = jax.random.key(seed)
    k1, k2, k3, k4 = jax.random.split(key, 4)
    batch = jnp.sort(jax.random.randint(k1, (N_NODES,), 0, N_GRAPHS)).astype(jnp.int64)
    node_feats_1 = jax.random.normal(k2, (N_NODES, NUM_CHANNEL, 3), dtype=jnp.float32)
    node_attrs = jax.random.uniform(k3, (N_NODES, NUM_ELEMENTS), dtype=jnp.float32)
    data_external_field = jax.random.normal(k4, (N_GRAPHS, 3), dtype=jnp.float32)
    # learned parameters (initialized to ones as in the torch module)
    element_weights = jnp.ones((NUM_ELEMENTS,), dtype=jnp.float32)
    channel_weights = jnp.ones((NUM_CHANNEL,), dtype=jnp.float32)
    return {
        "batch": batch,
        "node_feats_1": node_feats_1,
        "node_attrs": node_attrs,
        "data_external_field": data_external_field,
        "element_weights": element_weights,
        "channel_weights": channel_weights,
    }


def reference(batch, node_feats_1, node_attrs, data_external_field, element_weights, channel_weights):
    # element_idx = argmax over one-hot node attributes -> [N]
    element_idx = jnp.argmax(node_attrs, axis=-1)
    # per='graph': label = data[p][batch].unsqueeze(1) -> [N, 1, 3]
    label = jnp.take(data_external_field, batch, axis=0)[:, None, :]
    # element_weights gathered per node, expanded to rank+2 = 3 dims -> [N, 1, 1]
    ew = jnp.take(element_weights, element_idx, axis=0).reshape(-1, 1, 1)
    # channel_weights viewed as (1, C, 1)
    cw = channel_weights.reshape(1, -1, 1)
    embedding = label * ew * cw  # [N, C, 3]
    # add_rank1_to_left: node_feats[1] = node_feats[1] + embedding (key 1 present)
    return node_feats_1 + embedding

if __name__ == "__main__":
    import jax
    _d = setup_inputs()
    print(jax.jit(kernel)(*tuple(_d.values())))

</pallas_src>

<mosaic_0001>
module attributes {stable_mosaic.version = 14 : i64} {
  func.func @_embed_kernel(%arg0: i32, %arg1: memref<1x1000x1xi32, #tpu.memory_space<vmem>>, %arg2: memref<1x1000x5xf32, #tpu.memory_space<vmem>>, %arg3: memref<1000x384xf32, #tpu.memory_space<vmem>>, %arg4: memref<64x384xbf16, #tpu.memory_space<vmem>>, %arg5: memref<1x128xf32, #tpu.memory_space<vmem>>, %arg6: memref<1000x384xf32, #tpu.memory_space<vmem>>) attributes {dimension_semantics = [#tpu.dimension_semantics<arbitrary>], iteration_bounds = array<i64: 100>, scalar_prefetch = 0 : i64, scratch_operands = 0 : i64, tpu.core_type = #tpu.core_type<tc>, window_params = [{transform_indices = @transform_0, window_bounds = array<i64: 1, 1000, 1>}, {transform_indices = @transform_1, window_bounds = array<i64: 1, 1000, 5>}, {transform_indices = @transform_2, window_bounds = array<i64: 1000, 384>}, {pipeline_mode = #tpu.pipeline_mode<synchronous>, transform_indices = @transform_3, window_bounds = array<i64: 64, 384>}, {pipeline_mode = #tpu.pipeline_mode<synchronous>, transform_indices = @transform_4, window_bounds = array<i64: 1, 128>}, {transform_indices = @transform_5, window_bounds = array<i64: 1000, 384>}]} {
    %get3A = arith.constant 0 : index
    %get3A_0 = arith.constant 0 : index
    %get3A_1 = arith.constant 0 : index
    %get3A_2 = vector.load %arg2[%get3A, %get3A_0, %get3A_1] : memref<1x1000x5xf32, #tpu.memory_space<vmem>>, vector<1x1000x5xf32>
    %get3A_3 = vector.shape_cast %get3A_2 : vector<1x1000x5xf32> to vector<1000x5xf32>
    %reduce_max3A = arith.constant dense<0xFF800000> : vector<1000xf32>
    %reduce_max3A_4 = vector.multi_reduction <maximumf>, %get3A_3, %reduce_max3A [1] : vector<1000x5xf32> to vector<1000xf32>
    %broadcast_in_dim3A = vector.shape_cast %reduce_max3A_4 : vector<1000xf32> to vector<1000x1xf32>
    %iota3A = tpu.iota {dimensions = array<i32: 1>} : vector<1000x5xi32>
    %eq3A = vector.broadcast %broadcast_in_dim3A : vector<1000x1xf32> to vector<1000x5xf32>
    %eq3A_5 = arith.cmpf oeq, %get3A_3, %eq3A : vector<1000x5xf32>
    %jit3A = arith.constant 127 : i32
    %broadcast_in_dim3A_6 = vector.broadcast %jit3A : i32 to vector<1000x5xi32>
    %select_n3A = arith.select %eq3A_5, %iota3A, %broadcast_in_dim3A_6 : vector<1000x5xi1>, vector<1000x5xi32>
    %reduce_min3A = arith.constant dense<2147483647> : vector<1000xi32>
    %reduce_min3A_7 = vector.multi_reduction <minsi>, %select_n3A, %reduce_min3A [1] : vector<1000x5xi32> to vector<1000xi32>
    %broadcast_in_dim3A_8 = vector.shape_cast %reduce_min3A_7 : vector<1000xi32> to vector<1000x1xi32>
    %broadcast_in_dim3A_9 = arith.constant 0.000000e+00 : f32
    %broadcast_in_dim3A_10 = vector.broadcast %broadcast_in_dim3A_9 : f32 to vector<1000x1xf32>
    %eq3A_11 = arith.constant 0 : i32
    %eq3A_12 = vector.broadcast %eq3A_11 : i32 to vector<1000x1xi32>
    %eq3A_13 = arith.cmpi eq, %broadcast_in_dim3A_8, %eq3A_12 : vector<1000x1xi32>
    %get3A_14 = arith.constant 0 : index
    %get3A_15 = arith.constant 0 : index
    %get3A_16 = vector.load %arg5[%get3A_14, %get3A_15] : memref<1x128xf32, #tpu.memory_space<vmem>>, vector<1x1xf32>
    %get3A_17 = vector.extract %get3A_16[0, 0] : f32 from vector<1x1xf32>
    %broadcast_in_dim3A_18 = vector.broadcast %get3A_17 : f32 to vector<1000x1xf32>
    %select_n3A_19 = arith.select %eq3A_13, %broadcast_in_dim3A_18, %broadcast_in_dim3A_10 : vector<1000x1xi1>, vector<1000x1xf32>
    %eq3A_20 = arith.constant 1 : i32
    %eq3A_21 = vector.broadcast %eq3A_20 : i32 to vector<1000x1xi32>
    %eq3A_22 = arith.cmpi eq, %broadcast_in_dim3A_8, %eq3A_21 : vector<1000x1xi32>
    %get3A_23 = arith.constant 0 : index
    %get3A_24 = arith.constant 1 : index
    %get3A_25 = vector.load %arg5[%get3A_23, %get3A_24] : memref<1x128xf32, #tpu.memory_space<vmem>>, vector<1x1xf32>
    %get3A_26 = vector.extract %get3A_25[0, 0] : f32 from vector<1x1xf32>
    %broadcast_in_dim3A_27 = vector.broadcast %get3A_26 : f32 to vector<1000x1xf32>
    %select_n3A_28 = arith.select %eq3A_22, %broadcast_in_dim3A_27, %select_n3A_19 : vector<1000x1xi1>, vector<1000x1xf32>
    %eq3A_29 = arith.constant 2 : i32
    %eq3A_30 = vector.broadcast %eq3A_29 : i32 to vector<1000x1xi32>
    %eq3A_31 = arith.cmpi eq, %broadcast_in_dim3A_8, %eq3A_30 : vector<1000x1xi32>
    %get3A_32 = arith.constant 0 : index
    %get3A_33 = arith.constant 2 : index
    %get3A_34 = vector.load %arg5[%get3A_32, %get3A_33] : memref<1x128xf32, #tpu.memory_space<vmem>>, vector<1x1xf32>
    %get3A_35 = vector.extract %get3A_34[0, 0] : f32 from vector<1x1xf32>
    %broadcast_in_dim3A_36 = vector.broadcast %get3A_35 : f32 to vector<1000x1xf32>
    %select_n3A_37 = arith.select %eq3A_31, %broadcast_in_dim3A_36, %select_n3A_28 : vector<1000x1xi1>, vector<1000x1xf32>
    %eq3A_38 = arith.constant 3 : i32
    %eq3A_39 = vector.broadcast %eq3A_38 : i32 to vector<1000x1xi32>
    %eq3A_40 = arith.cmpi eq, %broadcast_in_dim3A_8, %eq3A_39 : vector<1000x1xi32>
    %get3A_41 = arith.constant 0 : index
    %get3A_42 = arith.constant 3 : index
    %get3A_43 = vector.load %arg5[%get3A_41, %get3A_42] : memref<1x128xf32, #tpu.memory_space<vmem>>, vector<1x1xf32>
    %get3A_44 = vector.extract %get3A_43[0, 0] : f32 from vector<1x1xf32>
    %broadcast_in_dim3A_45 = vector.broadcast %get3A_44 : f32 to vector<1000x1xf32>
    %select_n3A_46 = arith.select %eq3A_40, %broadcast_in_dim3A_45, %select_n3A_37 : vector<1000x1xi1>, vector<1000x1xf32>
    %eq3A_47 = arith.constant 4 : i32
    %eq3A_48 = vector.broadcast %eq3A_47 : i32 to vector<1000x1xi32>
    %eq3A_49 = arith.cmpi eq, %broadcast_in_dim3A_8, %eq3A_48 : vector<1000x1xi32>
    %get3A_50 = arith.constant 0 : index
    %get3A_51 = arith.constant 4 : index
    %get3A_52 = vector.load %arg5[%get3A_50, %get3A_51] : memref<1x128xf32, #tpu.memory_space<vmem>>, vector<1x1xf32>
    %get3A_53 = vector.extract %get3A_52[0, 0] : f32 from vector<1x1xf32>
    %broadcast_in_dim3A_54 = vector.broadcast %get3A_53 : f32 to vector<1000x1xf32>
    %select_n3A_55 = arith.select %eq3A_49, %broadcast_in_dim3A_54, %select_n3A_46 : vector<1000x1xi1>, vector<1000x1xf32>
    %get3A_56 = arith.constant 0 : index
    %get3A_57 = arith.constant 0 : index
    %get3A_58 = arith.constant 0 : index
    %get3A_59 = vector.load %arg1[%get3A_56, %get3A_57, %get3A_58] : memref<1x1000x1xi32, #tpu.memory_space<vmem>>, vector<1x1000x1xi32>
    %get3A_60 = vector.shape_cast %get3A_59 : vector<1x1000x1xi32> to vector<1000x1xi32>
    %iota3A_61 = tpu.iota {dimensions = array<i32: 1>} : vector<1000x64xi32>
    %eq3A_62 = vector.broadcast %get3A_60 : vector<1000x1xi32> to vector<1000x64xi32>
    %eq3A_63 = arith.cmpi eq, %iota3A_61, %eq3A_62 : vector<1000x64xi32>
    %jit3A_64 = arith.constant 1.000000e+00 : f32
    %jit3A_65 = arith.constant 0.000000e+00 : f32
    %broadcast_in_dim3A_66 = vector.broadcast %jit3A_64 : f32 to vector<1000x64xf32>
    %broadcast_in_dim3A_67 = vector.broadcast %jit3A_65 : f32 to vector<1000x64xf32>
    %select_n3A_68 = arith.select %eq3A_63, %broadcast_in_dim3A_66, %broadcast_in_dim3A_67 : vector<1000x64xi1>, vector<1000x64xf32>
    %convert_element_type3A = arith.truncf %select_n3A_68 : vector<1000x64xf32> to vector<1000x64xbf16>
    %get3A_69 = arith.constant 0 : index
    %get3A_70 = arith.constant 0 : index
    %get3A_71 = vector.load %arg4[%get3A_69, %get3A_70] : memref<64x384xbf16, #tpu.memory_space<vmem>>, vector<64x384xbf16>
    %dot_general3A = arith.constant dense<0.000000e+00> : vector<1000x384xf32>
    %dot_general3A_72 = tpu.matmul %convert_element_type3A, %get3A_71, %dot_general3A {dimension_numbers = #tpu.dot_dimension_numbers<[1], [0], [0], [1], [0, 0, 1, 1], [], []>, transpose_lhs_hint = false} : vector<1000x64xbf16>, vector<64x384xbf16>, vector<1000x384xf32> -> vector<1000x384xf32>
    %get3A_73 = arith.constant 0 : index
    %get3A_74 = arith.constant 0 : index
    %get3A_75 = vector.load %arg3[%get3A_73, %get3A_74] : memref<1000x384xf32, #tpu.memory_space<vmem>>, vector<1000x384xf32>
    %mul3A = vector.broadcast %select_n3A_55 : vector<1000x1xf32> to vector<1000x384xf32>
    %mul3A_76 = arith.mulf %mul3A, %dot_general3A_72 : vector<1000x384xf32>
    %add3A = arith.addf %get3A_75, %mul3A_76 : vector<1000x384xf32>
    %swap3A = arith.constant 0 : index
    %swap3A_77 = arith.constant 0 : index
    %swap3A_78 = vector.load %arg6[%swap3A, %swap3A_77] : memref<1000x384xf32, #tpu.memory_space<vmem>>, vector<1000x384xf32>
    tpu.vector_store %arg6[%swap3A, %swap3A_77], %add3A {strides = array<i32>} : memref<1000x384xf32, #tpu.memory_space<vmem>>, vector<1000x384xf32>,
    return
  }
  func.func @transform_0(%arg0: i32) -> (i32, i32, i32) {
    %c0_i32 = arith.constant 0 : i32
    %c0_i32_0 = arith.constant 0 : i32
    %c0_i32_1 = arith.constant 0 : i32
    return %arg0, %c0_i32, %c0_i32_0 : i32, i32, i32
  }
  func.func @transform_1(%arg0: i32) -> (i32, i32, i32) {
    %c0_i32 = arith.constant 0 : i32
    %c0_i32_0 = arith.constant 0 : i32
    %c0_i32_1 = arith.constant 0 : i32
    return %arg0, %c0_i32, %c0_i32_0 : i32, i32, i32
  }
  func.func @transform_2(%arg0: i32) -> (i32, i32) {
    %c0_i32 = arith.constant 0 : i32
    %c0_i32_0 = arith.constant 0 : i32
    return %arg0, %c0_i32 : i32, i32
  }
  func.func @transform_3(%arg0: i32) -> (i32, i32) {
    %c0_i32 = arith.constant 0 : i32
    %c0_i32_0 = arith.constant 0 : i32
    %c0_i32_1 = arith.constant 0 : i32
    return %c0_i32, %c0_i32_0 : i32, i32
  }
  func.func @transform_4(%arg0: i32) -> (i32, i32) {
    %c0_i32 = arith.constant 0 : i32
    %c0_i32_0 = arith.constant 0 : i32
    %c0_i32_1 = arith.constant 0 : i32
    return %c0_i32, %c0_i32_0 : i32, i32
  }
  func.func @transform_5(%arg0: i32) -> (i32, i32) {
    %c0_i32 = arith.constant 0 : i32
    %c0_i32_0 = arith.constant 0 : i32
    return %arg0, %c0_i32 : i32, i32
  }
}

</mosaic_0001>

<sc_bundles>
// kernel: sparse-core-data-format-call.cloned.1.call-start
scs
called_computation_lowered:
.L_overlay_start_0:
0x0: {  	s2 =	sld [smem:$0x3FD9]  }
0x1: {  	s3 =	sld [smem:$0x3FFE];
	_ =	sdelay $0x1  }
0x2: {  	s1 =	srdreg.scid  }
0x3: {  	s0 =	sand.u32 $0x1, s1  }
0x4: {  	s18 =	sshll.u32 s0, $0xA;
	s2 =	sadd.s32 s3, s2  }
0x5: {  	s2 =	sadd.s32 s2, s18  }
0x6: {  	[smem:$0x3FC2] =	sst s2  }
0x7: {  	_ = 	snop  }
0x8: {  	s2 =	sld [smem:$0x3FD0];
	(tm) =	ssettm $0x1  }
0x9: {  	s19 =	sld [smem:$0x3FFB];
	_ =	sdelay $0x3  }
0xa: {  	_ =	strace s19  }
0xb: {  	s3 =	sld [smem:$0x3FFC];
	_ =	sdelay $0x3  }
0xc: {  	_ =	strace s3  }
0xd: {  	s3 =	sld [smem:$0x3FFD];
	_ =	sdelay $0x3  }
0xe: {  	_ =	strace s3  }
0xf: {  	_ =	strace $0x8FFFFFFF  }
0x10: {  	s20 =	sld [smem:$0x3FDB];
	_ =	sdelay $0x1  }
0x11: {  	s4 =	simm.s32 $_scs_section_size  }
0x12: {  	s5 =	simm.s32 $_size__tile_overlayer_lowered;
	s6 =	simm.s32 $_tile_overlayer_lowered  }
0x13: {  	s23 =	simm.s32 $0x1BFF;
	s22 =	sshll.u32 s6, $0x1;
	s3 =	sadd.s32 s4, s20  }
0x14: {  	s7 =	simm.s32 $0x0;
	s21 =	sshll.u32 s5, $0x1;
	s5 =	sadd.s32 s22, s3  }
0x15: {  	[timem:s7], [sflag:s23] =	dma.local [hbm:s5], s21  }
0x16: {  	_ =	swait.ge [sflag:s23], s21  }
0x17: {  	s4 =	ssub.s32 $0x0, s21;
	[sflag:s23] =	ssyncset.done $0x0  }
0x18: {  	[sflag:s23] =	ssyncadd.s32 s4;
	_ =	sdelay $0x1  }
0x19: {  	s24 =	simm.s32 $0x1B8B  }
0x1a: {  	_ =	swait.ge [sflag:s24], $0x1  }
0x1b: {  	[sflag:s24] =	ssyncset.done $0x0  }
0x1c: {  	s26 =	simm.s32 $0x1B8E;
	s25 =	sld [smem:$0x3FFE];
	[sflag:s24] =	ssyncadd.s32 $0xFFFFFFFF  }
0x1d: {  	s27 =	simm.s32 $execute0_lowered;
	[smem:$0x3FD2] =	sst s26  }
0x1e: {  	s5 =	sshll.u32 s27, $0x1;
	_ =	strace $0x80000046;
	[dreg:$0x1] =	wrdreg $0xFFFFFFFF  }
0x1f: {  	s28 =	simm.s32 $_size_execute0_lowered;
	s3 =	sadd.s32 s3, s5;
	[dreg:$0x0] =	wrdreg $0x0  }
0x20: {  	s5 =	sshll.u32 s28, $0x1;
	[dreg:$0x2] =	wrdreg s3  }
0x21: {  	[dreg:$0x3] =	wrdreg s5  }
0x22: {  	[dreg:$0x4] =	wrdreg $0xC0  }
0x23: {  	_ =	task [dreg:s7], $0x5FFFF  }
0x24: {  	[dreg:$0x1] =	wrdreg $0xFFFFFFFF  }
0x25: {  	[dreg:$0x0] =	wrdreg $0x60  }
0x26: {  	[dreg:$0x2] =	wrdreg s25  }
0x27: {  	[dreg:$0x3] =	wrdreg s2  }
0x28: {  	[dreg:$0x4] =	wrdreg $0x9  }
0x29: {  	_ =	task.clear_ibuf [dreg:s7], $0x5FFFF;
	_ =	strace $0x90000046  }
0x2a: {  	s29 =	simm.s32 $0x9;
	_ =	strace $0x80000048  }
0x2b: {  	_ =	swait.ge [sflag:s29], $0x1  }
0x2c: {  	[sflag:s29] =	ssyncadd.s32 $0xFFFFFFFF  }
0x2d: {  	_ =	strace $0x90000048  }
0x2e: {  	_ =	sfence  }
0x2f: {  	s30 =	sld [smem:$0x0];
	_ =	sdelay $0x2  }
0x30: {  	s31 =	sshll.u32 s1, $0xD;
	s1 =	sshrl.u32 s1, $0x2  }
0x31: {  	s3 =	sand.u32 $0x4000, s31;
	s1 =	sadd.s32 s1, s30  }
0x32: {  	s0 =	sor.u32 s3, s0;
	s1 =	sshll.u32 s1, $0x11  }
0x33: {  	s0 =	sor.u32 s1, s0  }
0x34: {  	s0 =	sadd.s32 $0x8F2B, s0  }
0x35: {  	[sflag:s0] =	ssyncadd.remote.s32 $0x1  }
0x36: {  	_ =	sfence.sel $0xFFFF  }
0x37: {  	[dreg:$0x0] =	wrdreg $0xFFFFFFFF;
	(pc) =	sbr.abs _section_cstart, $3  }
0x38: {  	[dreg:$0x1] =	wrdreg $0xFFFFFFFF  }
0x39: {  	_ =	task.clear_ibuf [dreg:s7], $0x2FFFF;
	_ =	strace $0x9FFFFFFF  }
0x3a: {  	(tm) =	ssettm $0x7FFFFFFF  }
0x3b: {  	_ =	shalt  }
tec
execute0_lowered:
.L_overlay_start_1:
0x0: {  	(tag) =	ssettag $0x1  }
0x1: {  	s0 =	srdreg.scid;
	s5 =	rddreg [dreg:$0x0]  }
0x2: {  	s2 =	rddreg [dreg:$0x1];
	s4 =	simm.s32 $0x1;
	s7 =	simm.s32 $0x2  }
0x3: {  	s16 =	simm.s32 $0x0;
	p0 =	por $0x0, $0x0;
	s1 =	sshll.u32 s0, $0x4  }
0x4: {  	s17 =	simm.s32 $0x0;
	s0 =	stileid.u32;
	s1 =	sand.u32 $0x10, s1  }
0x5: {  	s15 =	simm.s32 $0x0;
	s9 =	simm.s32 $0x0;
	s1 =	sor.u32 s0, s1  }
0x6: {  	s10 =	simm.s32 $0x0;
	s12 =	simm.s32 $0x0;
	s3 =	sshll.u32 s1, $0x7  }
.Ltmp0:
0x7: {  	s13 =	simm.s32 $0x0;
	s6 =	ssub.s32 $0x18680, s3;
	(pc) =	sbr.rel .LBB1_1-.Ltmp0, $4  }
0x8: {  	s1 =	rddreg [dreg:$0x2];
	_ =	strace $0x80000047;
	s6 =	sshrl.u32 s6, $0xC  }
0x9: {  	s14 =	simm.s32 $0x0;
	[sflag:s4] =	ssyncpa.u1 $0x0;
	s8 =	smul.u32 $0x3, s6  }
0xa: {  	s5 =	sadd.s32 $0xA00, s5;
	s11 =	smov.u32 s3;
	[sflag:s7] =	ssyncpa.u1 $0x0  }
0xb: {  	s6 =	sadd.s32 $0x3, s8;
	s7 =	sadd.s32 $0x4, s8;
	s8 =	simm.s32 $0x0  }
.LBB1_5:
0xc: {  	p1 =	slt.u32 s14, $0x2  }
0xd: {  	p2 =	sgt.s32 @!p1 s17, $0x2  }
0xe: {  	s18 =	smov.u32 s17;
	s19 =	sshra.s32 @!p1 s17, $0x1F;
	p2 =	por !p2, p1  }
0xf: {  	s20 =	sshra.s32 @!p1 s16, $0x1F;
	s17 =	sand.u32 @!p1 s19, s17;
	s18 =	simm.s32 @p2 $0x2  }
0x10: {  	s19 =	smov.u32 s16;
	p2 =	sgt.s32 @!p1 s16, $0x18620;
	s17 =	ssub.s32 @!p1 s18, s17  }
0x11: {  	s16 =	sand.u32 @!p1 s20, s16;
	p2 =	por !p2, p1;
	s18 =	sadd.s32 @!p1 $0xFFFFFFFE, s17  }
0x12: {  	s19 =	simm.s32 @p2 $0x18620;
	p3 =	sgt.s32 @!p1 s18, $0x0;
	s18 =	ssub.s32 @!p1 $0x0, s15  }
0x13: {  	s17 =	ssub.s32 @!p1 $0x3, s17;
	s16 =	ssub.s32 @!p1 s19, s16;
	s15 =	smin.u32 @!p1 s15, s18  }
0x14: {  	p2 =	por !p3, p1;
	s19 =	sadd.s32 @!p1 $0xFFFE79E0, s16;
	p3 =	sgt.s32 @!p1 s15, $0x7F  }
0x15: {  	s18 =	sadd.s32 $0x1000, s11;
	s15 =	ssub.s32 @!p1 $0x80, s15;
	p3 =	por !p3, p1  }
0x16: {  	s17 =	simm.s32 @!p2 $0x0;
	p2 =	sgt.s32 @!p1 s19, $0x7F;
	s15 =	simm.s32 @!p3 $0x0  }
0x17: {  	p3 =	sgt.s32 s18, $0x1869F;
	s15 =	smul.u32 @!p1 s15, s17;
	s17 =	simm.s32 $0x1  }
0x18: {  	s16 =	ssub.s32 @!p1 $0x186A0, s16;
	p2 =	por !p2, p1;
	s17 =	simm.s32 @!p3 $0x0  }
0x19: {  	s20 =	smov.u32 s13;
	s16 =	simm.s32 @!p2 $0x0;
	s19 =	sadd.s32 s17, s12  }
0x1a: {  	s15 =	smul.u32 @!p1 s16, s15;
	s16 =	sadd.s32 $0x80, s13;
	p2 =	sgt.s32 s19, $0x2  }
0x1b: {  	p0 =	por !p0, !p0;
	s21 =	simm.s32 @!p1 $0x2;
	s20 =	smov.u32 @p2 s16  }
0x1c: {  	s18 =	smov.u32 @p3 s3;
	s19 =	simm.s32 @p2 $0x0;
	p2 =	sgt.s32 s20, $0x7F  }
0x1d: {  	s17 =	smov.u32 s9;
	s20 =	simm.s32 @p2 $0x0;
	p2 =	sne.s32 s14, s7  }
.Ltmp1:
0x1e: {  	s9 =	smov.u32 s12;
	s15 =	sand.u32 @!p1 $0x3FFFFFFF, s15;
	(pc) =	sbr.rel @!p2 .LBB1_6-.Ltmp1, $4  }
0x1f: {  	s16 =	smov.u32 s8;
	s8 =	smov.u32 s11;
	s11 =	smov.u32 s18  }
0x20: {  	_ =	swait.ge @!p1 [sflag:s21], s15;
	s22 =	ssub.s32 @!p1 $0x0, s15;
	s15 =	smov.u32 s10  }
0x21: {  	s10 =	smov.u32 s13;
	s12 =	smov.u32 s19;
	[sflag:s21] =	ssyncset.done @!p1 $0x0  }
0x22: {  	s14 =	sadd.s32 $0x1, s14;
	[sflag:s21] =	ssyncadd.s32 @!p1 s22;
	s13 =	smov.u32 s20  }
.LBB1_1:
0x23: {  	p1 =	sge.u32 s14, s6  }
0x24: {  	s18 =	sshrl.u32 @!p1 s12, $0x2  }
0x25: {  	s19 =	sshll.u32 @!p1 s11, $0x2;
	s18 =	smul.u32 @!p1 $0x61C00, s18  }
0x26: {  	s20 =	sshll.u32 @!p1 s12, $0x7;
	s19 =	sand.u32 @!p1 $0xFFFFFE00, s19  }
0x27: {  	s18 =	sadd.s32 @!p1 s18, s19;
	s19 =	sand.u32 @!p1 $0x180, s20  }
0x28: {  	s20 =	sand.u32 @!p1 $0x7F, s11;
	s18 =	sor.u32 @!p1 s19, s18  }
0x29: {  	s19 =	sor.u32 @!p1 s20, s18  }
0x2a: {  	s20 =	smulhi.u32 @!p1 $0xA79C7B17, s19  }
0x2b: {  	s18 =	smulhi.u32 @!p1 $0xA79C7B17, s18  }
0x2c: {  	s20 =	sshrl.u32 @!p1 s20, $0x10  }
0x2d: {  	s18 =	sshrl.u32 @!p1 s18, $0x10;
	s20 =	smul.u32 @!p1 $0x18700, s20  }
0x2e: {  	s21 =	sxor.u32 @!p1 $0xFFFFFFFF, s14;
	s22 =	smul.u32 @!p1 $0xC380, s13;
	s18 =	sand.u32 @!p1 $0x3, s18  }
0x2f: {  	s21 =	sshll.u32 @!p1 s21, $0xE;
	s18 =	smul.u32 @!p1 $0x30E0, s18;
	s19 =	ssub.s32 @!p1 s19, s20  }
0x30: {  	s20 =	sand.u32 @!p1 $0x4000, s21;
	s21 =	sadd.s32 @!p1 s5, s22;
	s22 =	sand.u32 @!p1 $0x7, s19  }
0x31: {  	s19 =	sshrl.u32 @!p1 s19, $0x3;
	s18 =	sadd.s32 @!p1 s18, s21;
	s21 =	sshll.u32 @!p1 s22, $0x12  }
0x32: {  	s18 =	sadd.s32 @!p1 s19, s18;
	s19 =	sor.u32 @!p1 $0x80, s21;
	s21 =	simm.s32 @!p1 $0x61C00  }
0x33: {  	[tilespmem:s20], [sflag:$0x1] =	stream.strided.gather @!p1 [hbm4b:s18+s19], $0x4000, s21, s19, $0x38;
	[tilespmem:$0x10100] =	vst v63  }
0x34: {  	p1 =	seq.s32 s14, $0x0  }
0x35: {  	p2 =	sge.u32 @!p1 s14, s7  }
0x36: {  	p1 =	por p1, p2  }
.Ltmp2:
0x37: {  	_ = 	snop;
	(pc) =	sbr.rel @p1 .LBB1_5-.Ltmp2, $1  }
0x38: {  	_ =	sdelay $0x3  }
0x39: {  	s18 =	simm.s32 $0x1  }
0x3a: {  	_ =	swait.ge [sflag:s4], $0x4000;
	s18 =	simm.s32 @!p0 $0x0  }
0x3b: {  	[sflag:s4] =	ssyncset.done $0x0;
	s19 =	sshll.u32 s18, $0xE  }
0x3c: {  	[sflag:s4] =	ssyncadd.s32 $0xFFFFC000;
	s19 =	sor.u32 $0x40, s19  }
0x3d: {  	s18 =	smul.u32 $0x10200, s18;
	v0 =	vld [tilespmem:s19+$0x30]  }
0x3e: {  	v1 =	vld [tilespmem:s19+$0xFFFFFFD0]  }
0x3f: {  	s18 =	sshrl.u32 s18, $0x2;
	v5 =	vld [tilespmem:s19+$0xFFFFFFE0]  }
0x40: {  	v6 =	vld [tilespmem:s19+$0xFFFFFFF0];
	s21 =	sor.u32 $0x8000, s18  }
0x41: {  	s31 =	sand.u32 $0x1, s14;
	v4 =	vld [tilespmem:s19+$0x0];
	s20 =	sadd.s32 $0x0, s21  }
0x42: {  	v3 =	vld [tilespmem:s19+$0x10];
	s18 =	smul.u32 $0x10200, s31;
	[tilespmem:s20+$0x3870 ss:$0x81] =	vst.msk $0xffff, v0  }
0x43: {  	v2 =	vld [tilespmem:s19+$0x20];
	[tilespmem:s20+$0x810 ss:$0x81] =	vst.msk $0xffff, v1  }
0x44: {  	s18 =	sshrl.u32 s18, $0x2;
	v0 =	vld [tilespmem:s19+$0xFFFFFFC0];
	[tilespmem:s20+$0x1020 ss:$0x81] =	vst.msk $0xffff, v5;
	s19 =	sadd.s32 $0x80, s19  }
0x45: {  	s22 =	simm.s32 $0x4;
	s23 =	simm.s32 $0x8;
	s18 =	sor.u32 $0x8000, s18;
	[tilespmem:s20+$0x1830 ss:$0x81] =	vst.msk $0xffff, v6;
	v1 =	vld [tilespmem:s19+$0x30]  }
.LBB1_3:
0x46: {  	p1 =	sne.s32 s23, $0x1FC;
	v5 =	vld [tilespmem:s19+$0xFFFFFFD0];
	[tilespmem:s20+$0x2040 ss:$0x81] =	vst.msk $0xffff, v4  }
0x47: {  	v6 =	vld [tilespmem:s19+$0xFFFFFFE0];
	[tilespmem:s20+$0x2850 ss:$0x81] =	vst.msk $0xffff, v3  }
0x48: {  	s24 =	sshra.s32 s22, $0x2;
	s22 =	smov.u32 s23;
	v7 =	vld [tilespmem:s19+$0xFFFFFFF0];
	[tilespmem:s20+$0x3060 ss:$0x81] =	vst.msk $0xffff, v2  }
.Ltmp3:
0x49: {  	v4 =	vld [tilespmem:s19+$0x0];
	[tilespmem:s20+$0x0 ss:$0x81] =	vst.msk $0xffff, v0;
	s20 =	sadd.s32 s24, s21;
	(pc) =	sbr.rel @p1 .LBB1_3-.Ltmp3, $4  }
0x4a: {  	v3 =	vld [tilespmem:s19+$0x10];
	[tilespmem:s20+$0x3870 ss:$0x81] =	vst.msk $0xffff, v1  }
0x4b: {  	[tilespmem:s20+$0x810 ss:$0x81] =	vst.msk $0xffff, v5;
	v2 =	vld [tilespmem:s19+$0x20]  }
0x4c: {  	v0 =	vld [tilespmem:s19+$0xFFFFFFC0];
	[tilespmem:s20+$0x1020 ss:$0x81] =	vst.msk $0xffff, v6;
	s19 =	sadd.s32 $0x80, s19  }
0x4d: {  	s23 =	sadd.s32 $0x4, s23;
	v1 =	vld [tilespmem:s19+$0x30];
	[tilespmem:s20+$0x1830 ss:$0x81] =	vst.msk $0xffff, v7  }
0x4e: {  	s23 =	sshll.u32 s8, $0x7;
	s24 =	sshll.u32 s10, $0x3  }
0x4f: {  	p1 =	sgt.s32 s9, $0x2;
	s26 =	sshra.s32 s9, $0x1F;
	s22 =	sshra.s32 s22, $0x2  }
0x50: {  	s29 =	ssub.s32 $0x0, s10;
	s25 =	sand.u32 $0xFFFFFC00, s23;
	s24 =	sand.u32 $0xFFFFFC00, s24  }
0x51: {  	[tilespmem:s20+$0x2040 ss:$0x81] =	vst.msk $0xffff, v4;
	s30 =	sshra.s32 s8, $0x1F;
	s23 =	sand.u32 $0x380, s23;
	s24 =	sadd.s32 s24, s25  }
0x52: {  	s21 =	sadd.s32 s22, s21;
	[tilespmem:s20+$0x2850 ss:$0x81] =	vst.msk $0xffff, v3;
	s23 =	sor.u32 s23, s24;
	s24 =	smov.u32 s9  }
0x53: {  	s25 =	sand.u32 s26, s9;
	[tilespmem:s20+$0x3060 ss:$0x81] =	vst.msk $0xffff, v2;
	s23 =	sshrl.u32 s23, $0x7;
	s24 =	simm.s32 @!p1 $0x2  }
0x54: {  	v5 =	vld [tilespmem:s19+$0xFFFFFFD0];
	[tilespmem:s20+$0x0 ss:$0x81] =	vst.msk $0xffff, v0;
	s20 =	sand.u32 s30, s8;
	s26 =	smulhi.u32 $0x14F8B59, s23;
	s24 =	ssub.s32 s24, s25  }
0x55: {  	v58 =	vld [tilespmem:s19+$0xFFFFFFE0];
	s27 =	sadd.s32 $0xFFFFFFFE, s24;
	s22 =	ssub.s32 $0x3, s24;
	s24 =	smov.u32 s8  }
0x56: {  	v59 =	vld [tilespmem:s19+$0xFFFFFFF0];
	s28 =	sshrl.u32 s26, $0x9;
	p1 =	sgt.s32 s27, $0x0;
	s26 =	smin.u32 s10, s29  }
0x57: {  	v60 =	vld [tilespmem:s19+$0x0];
	s27 =	smul.u32 $0x186A00, s9;
	s22 =	simm.s32 @p1 $0x0;
	p1 =	sgt.s32 s8, $0x18620  }
0x58: {  	v61 =	vld [tilespmem:s19+$0x10];
	[tilespmem:s21+$0x3870 ss:$0x81] =	vst.msk $0xffff, v1;
	s24 =	simm.s32 @!p1 $0x18620;
	p1 =	sgt.s32 s26, $0x7F;
	s26 =	ssub.s32 $0x80, s26  }
0x59: {  	v62 =	vld [tilespmem:s19+$0x20];
	[tilespmem:s21+$0x810 ss:$0x81] =	vst.msk $0xffff, v5;
	s31 =	smul.u32 $0x186A0, s28;
	s20 =	ssub.s32 s24, s20;
	s26 =	simm.s32 @p1 $0x0  }
0x5a: {  	v63 =	vld [tilespmem:s19+$0xFFFFFFC0];
	[tilespmem:s21+$0x1020 ss:$0x81] =	vst.msk $0xffff, v58;
	s25 =	smul.u32 s26, s22;
	s26 =	sadd.s32 $0xFFFE79E0, s20  }
0x5b: {  	[tilespmem:s21+$0x1830 ss:$0x81] =	vst.msk $0xffff, v59;
	s28 =	sshrl.u32 s10, $0x3;
	s20 =	ssub.s32 $0x186A0, s20;
	p1 =	sgt.s32 s26, $0x7F  }
.Ltmp4:
0x5c: {  	[tilespmem:s21+$0x2040 ss:$0x81] =	vst.msk $0xffff, v60;
	s29 =	sand.u32 $0xF, s28;
	s20 =	simm.s32 @p1 $0x0;
	(pc) =	sbr.rel .LBB1_5-.Ltmp4, $4  }
0x5d: {  	[tilespmem:s21+$0x2850 ss:$0x81] =	vst.msk $0xffff, v61;
	s23 =	ssub.s32 s23, s31;
	s22 =	sadd.s32 s2, s27;
	s19 =	smul.u32 s20, s25  }
0x5e: {  	[tilespmem:s21+$0x3060 ss:$0x81] =	vst.msk $0xffff, v62;
	s30 =	sshll.u32 s23, $0x4;
	s20 =	sadd.s32 s29, s22  }
0x5f: {  	[tilespmem:s21+$0x0 ss:$0x81] =	vst.msk $0xffff, v63;
	s31 =	sand.u32 $0x7, s10;
	s20 =	sadd.s32 s30, s20;
	s19 =	sand.u32 $0x3FFFFFFF, s19  }
0x60: {  	[hbm4b:s20+s31] =	stream.linear.scatter [tilespmem:s18], [sflag:$0x2], s19, $0x20;
	[tilespmem:$0x10100] =	vst v63  }
.LBB1_6:
0x61: {  	_ =	sfence.sel $0x180000  }
0x62: {  	s2 =	simm.s32 $0x1;
	[bflag:$0x0] =	sbarrier.arrive $0xFFFF  }
0x63: {  	s31 =	simm.s32 $0x2;
	[sflag:s2] =	ssyncpa.u1 $0x1  }
0x64: {  	[sflag:s31] =	ssyncpa.u1 $0x1  }
0x65: {  	p0 =	sne.s32 s0, $0x0;
	_ =	strace $0x90000047  }
0x66: {  	s0 =	sadd.s32 @!p0 $0x100000, s1;
	[bflag:$0x2] =	sbarrier.arrive $0xFFFF  }
0x67: {  	[sflag:s0] =	ssyncadd.tile.s32 @!p0 $0x1;
	_ =	shalt  }
.Lfunc_end1:
_tile_overlayer_lowered:
.L_overlay_start_2:
0x68: {  	(tag) =	ssettag $0x2  }
0x69: {  	s0 =	rddreg [dreg:$0x0];
	s2 =	stileid.u32  }
0x6a: {  	s1 =	rddreg [dreg:$0x1];
	p0 =	sne.s32 s2, $0x0  }
0x6b: {  	s3 =	rddreg [dreg:$0x2];
	[bflag:$0x3] =	sbarrier.arrive $0xFFFF;
	s2 =	simm.s32 @!p0 $0x1C01  }
0x6c: {  	[timem:s3], [sflag:s2] =	dma.local @!p0 [hbm:s0], s1  }
0x6d: {  	s0 =	simm.s32 @!p0 $0x1  }
0x6e: {  	_ =	swait.ge @!p0 [sflag:s0], s1  }
0x6f: {  	s1 =	ssub.s32 @!p0 $0x0, s1;
	[sflag:s0] =	ssyncset.done @!p0 $0x0  }
0x70: {  	[sflag:s0] =	ssyncadd.s32 @!p0 s1  }
0x71: {  	[bflag:$0x3] =	sbarrier.arrive $0xFFFF  }
0x72: {  	_ =	shalt  }

</sc_bundles>
